<compile_context>
chip_gen: v7x
topology: tpu7x:2x2x1
jax: 0.10.2.dev20260603
libtpu: 0.0.44.dev20260713+nightly
codegen_flags: <defaults>
</compile_context>

<pallas_src>
import functools

import jax
import jax.numpy as jnp
from jax.experimental import pallas as pl

_NW = 64
_NTOKEN = 128
_TILE = 512


def _heads_kernel(x0_ref, x1_ref, x2_ref, w0_ref, w1_ref, w2_ref,
                  wxg_ref, wxl_ref, mg_ref, ml_ref, cg_ref, cl_ref,
                  g_ref, l_ref):
    acc = jnp.dot(x0_ref[...], w0_ref[...], preferred_element_type=jnp.float32)
    acc = acc + jnp.dot(x1_ref[...], w1_ref[...], preferred_element_type=jnp.float32)
    acc = acc + jnp.dot(x2_ref[...], w2_ref[...], preferred_element_type=jnp.float32)
    r = jnp.maximum(acc, 0.0).astype(jnp.bfloat16)
    rg = r[:, :1024]
    rl = r[:, 1024:]
    x1b = x1_ref[...]
    g = jnp.dot(x1b, wxg_ref[...], preferred_element_type=jnp.float32)
    g = g + jnp.dot(rg, mg_ref[...], preferred_element_type=jnp.float32)
    g_ref[...] = g + cg_ref[...]
    l = jnp.dot(x1b, wxl_ref[...], preferred_element_type=jnp.float32)
    l = l + jnp.dot(rl, ml_ref[...], preferred_element_type=jnp.float32)
    l_ref[...] = l + cl_ref[...]


def _run_heads(x0, x1, x2, w0, w1, w2, wxg, wxl, mg, ml, cg, cl, T):
    grid = (T // _TILE,)
    xspec = pl.BlockSpec((_TILE, 1024), lambda i: (i, 0))

    def fullspec(shape):
        return pl.BlockSpec(shape, lambda i: tuple(0 for _ in shape))

    return pl.pallas_call(
        _heads_kernel,
        grid=grid,
        in_specs=[xspec, xspec, xspec,
                  fullspec((1024, 2048)), fullspec((1024, 2048)), fullspec((1024, 2048)),
                  fullspec((1024, 48)), fullspec((1024, 128)),
                  fullspec((1024, 48)), fullspec((1024, 128)),
                  fullspec((1, 48)), fullspec((1, 128))],
        out_specs=[pl.BlockSpec((_TILE, 48), lambda i: (i, 0)),
                   pl.BlockSpec((_TILE, 128), lambda i: (i, 0))],
        out_shape=[jax.ShapeDtypeStruct((T, 48), jnp.float32),
                   jax.ShapeDtypeStruct((T, 128), jnp.float32)],
    )(x0, x1, x2, w0, w1, w2, wxg, wxl, mg, ml, cg, cl)


def kernel(frame_feature, Wg_d, bg_d, Wg_1, bg_1, Wg_o, bg_o,
           Wl_d, bl_d, Wl_1, bl_1, Wl_o, bl_o):
    T, B, C = frame_feature.shape
    half = _NW // 2
    nw1 = _NW + 1

    xt = frame_feature[:, 0, :]
    xp = jnp.pad(xt, ((1, 1), (0, 0)))
    xb = [xp[k:T + k].astype(jnp.bfloat16) for k in range(3)]

    wtaps = [jnp.concatenate(
        [jnp.transpose(Wg_d[:, :, k], (1, 0)), jnp.transpose(Wl_d[:, :, k], (1, 0))],
        axis=1).astype(jnp.bfloat16) for k in range(3)]
    bd_cat = jnp.concatenate([bg_d, bl_d])

    Mg = jnp.transpose(jnp.einsum('oc,cd->od', Wg_o[:, :, 0], Wg_1[:, :, 0]), (1, 0))
    Ml = jnp.transpose(jnp.einsum('oc,cd->od', Wl_o[:, :, 0], Wl_1[:, :, 0]), (1, 0))
    Wxg = jnp.transpose(Wg_o[:, :, 0], (1, 0))
    Wxl = jnp.transpose(Wl_o[:, :, 0], (1, 0))
    cg = (Wg_o[:, :, 0] @ bg_1 + bg_o)[None, :]
    cl = (Wl_o[:, :, 0] @ bl_1 + bl_o)[None, :]

    onescol = jnp.ones((T, 1), dtype=jnp.bfloat16)
    pad_rows = 8
    x1a = jnp.concatenate([xb[1], onescol,
                           jnp.zeros((T, pad_rows - 1), dtype=jnp.bfloat16)], axis=1)
    w1a = jnp.concatenate([wtaps[1], bd_cat[None, :].astype(jnp.bfloat16),
                           jnp.zeros((pad_rows - 1, 2048), dtype=jnp.bfloat16)], axis=0)
    Wxg_a = jnp.concatenate([Wxg, jnp.zeros((pad_rows, 48), Wxg.dtype)], axis=0)
    Wxl65_a = jnp.concatenate([Wxl, jnp.zeros((pad_rows, 65), Wxl.dtype)], axis=0)

    def pad65(a):
        return jnp.concatenate([a, jnp.zeros((a.shape[0], 128 - 65), a.dtype)], axis=1)

    gl, ll128 = _run_heads(
        jnp.concatenate([xb[0], jnp.zeros((T, pad_rows), jnp.bfloat16)], axis=1),
        x1a,
        jnp.concatenate([xb[2], jnp.zeros((T, pad_rows), jnp.bfloat16)], axis=1),
        jnp.concatenate([wtaps[0], jnp.zeros((pad_rows, 2048), jnp.bfloat16)], axis=0),
        w1a,
        jnp.concatenate([wtaps[2], jnp.zeros((pad_rows, 2048), jnp.bfloat16)], axis=0),
        Wxg_a.astype(jnp.bfloat16), pad65(Wxl65_a).astype(jnp.bfloat16),
        jnp.concatenate([Mg, jnp.zeros((pad_rows, 48), Mg.dtype)], axis=0).astype(jnp.bfloat16),
        pad65(jnp.concatenate([Ml, jnp.zeros((pad_rows, 65), Ml.dtype)], axis=0)).astype(jnp.bfloat16),
        cg.astype(jnp.float32), pad65(cl).astype(jnp.float32), T)
    ll = ll128[:, :65]

    g_logits = gl[:, None, :]
    l_logits = ll[:, None, :]

    x = jnp.pad(jnp.transpose(g_logits, (1, 2, 0)), ((0, 0), (0, 0), (half, half)))
    idx = jnp.arange(T)[:, None] + jnp.arange(nw1)[None, :]
    g_win = jnp.transpose(x[:, :, idx], (0, 2, 1, 3))
    l_win = jnp.transpose(l_logits[:, :, None, :], (1, 0, 2, 3))
    pred_scores = jax.nn.softmax(g_win + l_win, axis=-1)
    pred_scores = jnp.where(jnp.isnan(pred_scores), 0.0, pred_scores)
    padded = jnp.pad(pred_scores, ((0, 0), (half, half), (0, 0), (0, 0)))
    final = jnp.zeros_like(padded[:, :T])
    for i in range(_NW):
        final = final + padded[:, i:i + T]
    final = final.sum(axis=-1)
    phase = jnp.max(final, axis=-1)
    k = min(_NTOKEN, T)
    top_v, top_i = jax.lax.top_k(phase, k)
    gathered = frame_feature[top_i[0]]
    return gathered, top_i

# --- scband reference (transcript-rebuilt; emitter-appended) ---
"""Pipeline reference for scband-b2-q-net-52166672777295 (READ-ONLY COPY).

The authoritative reference and input builder live on the scoring server;
editing this copy changes nothing except your own understanding.
"""

import jax, jax.numpy as jnp
import numpy as np

NW = 64
NTOKEN = 128
F_DIM = 1024
N_CLASSES = 48


def _conv1d(x, W, b, dilation=1):
    # x: (B, Cin, T), W: (Cout, Cin, K)
    out = jax.lax.conv_general_dilated(x, W, window_strides=(1,), padding='SAME',
                                       rhs_dilation=(dilation,),
                                       dimension_numbers=('NCH', 'OIH', 'NCH'))
    return out + b[None, :, None]


def _mstcn2(x_tbc, Wd, bd, W1, b1, Wo, bo):
    # single dilated-residual-layer MSTCN2 head (num_layers=1, in_map=False) + 1x1 output conv
    h = jnp.transpose(x_tbc, (1, 2, 0))  # (B, C, T)
    y = jax.nn.relu(_conv1d(h, Wd, bd, dilation=1))
    y = _conv1d(y, W1, b1)
    h = h + y
    out = _conv1d(h, Wo, bo)
    return jnp.transpose(out, (2, 0, 1))  # (T, B, out_dim)


def setup_inputs(seed: int = 0) -> dict:
    key = jax.random.key(seed)
    ks = jax.random.split(key, 8)
    T, B, C = 4096, 1, F_DIM
    s = 0.02
    return {
        'frame_feature': jax.random.normal(ks[0], (T, B, C), dtype=jnp.float32),
        'Wg_d': jax.random.normal(ks[1], (C, C, 3), dtype=jnp.float32) * s,
        'bg_d': jnp.zeros((C,), dtype=jnp.float32),
        'Wg_1': jax.random.normal(ks[2], (C, C, 1), dtype=jnp.float32) * s,
        'bg_1': jnp.zeros((C,), dtype=jnp.float32),
        'Wg_o': jax.random.normal(ks[3], (N_CLASSES, C, 1), dtype=jnp.float32) * s,
        'bg_o': jnp.zeros((N_CLASSES,), dtype=jnp.float32),
        'Wl_d': jax.random.normal(ks[4], (C, C, 3), dtype=jnp.float32) * s,
        'bl_d': jnp.zeros((C,), dtype=jnp.float32),
        'Wl_1': jax.random.normal(ks[5], (C, C, 1), dtype=jnp.float32) * s,
        'bl_1': jnp.zeros((C,), dtype=jnp.float32),
        'Wl_o': jax.random.normal(ks[6], (NW + 1, C, 1), dtype=jnp.float32) * s,
        'bl_o': jnp.zeros((NW + 1,), dtype=jnp.float32),
    }


def reference(frame_feature, Wg_d, bg_d, Wg_1, bg_1, Wg_o, bg_o,
              Wl_d, bl_d, Wl_1, bl_1, Wl_o, bl_o):
    T, B, C = frame_feature.shape
    half = NW // 2
    g_logits = _mstcn2(frame_feature, Wg_d, bg_d, Wg_1, bg_1, Wg_o, bg_o)  # (T,B,nc)
    l_logits = _mstcn2(frame_feature, Wl_d, bl_d, Wl_1, bl_1, Wl_o, bl_o)  # (T,B,NW+1)
    # sliding-window view over padded global logits (equivalent to torch as_strided)
    x = jnp.pad(jnp.transpose(g_logits, (1, 2, 0)), ((0, 0), (0, 0), (half, half)))  # (B,nc,T+NW)
    idx = jnp.arange(T)[:, None] + jnp.arange(NW + 1)[None, :]
    g_win = jnp.transpose(x[:, :, idx], (0, 2, 1, 3))  # (B,T,nc,NW+1)
    l_win = jnp.transpose(l_logits[:, :, None, :], (1, 0, 2, 3))  # (B,T,1,NW+1)
    pred_scores = jax.nn.softmax(g_win + l_win, axis=-1)
    pred_scores = jnp.where(jnp.isnan(pred_scores), 0.0, pred_scores)
    padded = jnp.pad(pred_scores, ((0, 0), (half, half), (0, 0), (0, 0)))  # (B,T+NW,nc,NW+1)
    # sum_{i=0}^{NW-1} padded[:, i:i+T] computed incrementally (same math as torch stack().sum(0))
    final = jnp.zeros_like(padded[:, :T])
    for i in range(NW):
        final = final + padded[:, i:i + T]
    final = final.sum(axis=-1)  # (B,T,nc)
    phase = jnp.max(final, axis=-1)  # (B,T)
    k = min(NTOKEN, T)
    top_v, top_i = jax.lax.top_k(phase, k)  # (B,k)
    gathered = frame_feature[top_i[0]]  # (k,B,C)
    return gathered, top_i

if __name__ == "__main__":
    import jax
    _d = setup_inputs()
    print(jax.jit(kernel)(*tuple(_d.values())))

</pallas_src>

<mosaic_0001>
module attributes {stable_mosaic.version = 14 : i64} {
  func.func @_heads_kernel(%arg0: i32, %arg1: memref<512x1024xbf16, #tpu.memory_space<vmem>>, %arg2: memref<512x1024xbf16, #tpu.memory_space<vmem>>, %arg3: memref<512x1024xbf16, #tpu.memory_space<vmem>>, %arg4: memref<1024x2048xbf16, #tpu.memory_space<vmem>>, %arg5: memref<1024x2048xbf16, #tpu.memory_space<vmem>>, %arg6: memref<1024x2048xbf16, #tpu.memory_space<vmem>>, %arg7: memref<1024x48xbf16, #tpu.memory_space<vmem>>, %arg8: memref<1024x128xbf16, #tpu.memory_space<vmem>>, %arg9: memref<1024x48xbf16, #tpu.memory_space<vmem>>, %arg10: memref<1024x128xbf16, #tpu.memory_space<vmem>>, %arg11: memref<1x48xf32, #tpu.memory_space<vmem>>, %arg12: memref<1x128xf32, #tpu.memory_space<vmem>>, %arg13: memref<512x48xf32, #tpu.memory_space<vmem>>, %arg14: memref<512x128xf32, #tpu.memory_space<vmem>>) attributes {dimension_semantics = [#tpu.dimension_semantics<arbitrary>], iteration_bounds = array<i64: 8>, scalar_prefetch = 0 : i64, scratch_operands = 0 : i64, tpu.core_type = #tpu.core_type<tc>, window_params = [{transform_indices = @transform_0, window_bounds = array<i64: 512, 1024>}, {transform_indices = @transform_1, window_bounds = array<i64: 512, 1024>}, {transform_indices = @transform_2, window_bounds = array<i64: 512, 1024>}, {transform_indices = @transform_3, window_bounds = array<i64: 1024, 2048>}, {transform_indices = @transform_4, window_bounds = array<i64: 1024, 2048>}, {transform_indices = @transform_5, window_bounds = array<i64: 1024, 2048>}, {transform_indices = @transform_6, window_bounds = array<i64: 1024, 48>}, {transform_indices = @transform_7, window_bounds = array<i64: 1024, 128>}, {transform_indices = @transform_8, window_bounds = array<i64: 1024, 48>}, {transform_indices = @transform_9, window_bounds = array<i64: 1024, 128>}, {pipeline_mode = #tpu.pipeline_mode<synchronous>, transform_indices = @transform_10, window_bounds = array<i64: 1, 48>}, {pipeline_mode = #tpu.pipeline_mode<synchronous>, transform_indices = @transform_11, window_bounds = array<i64: 1, 128>}, {transform_indices = @transform_12, window_bounds = array<i64: 512, 48>}, {transform_indices = @transform_13, window_bounds = array<i64: 512, 128>}]} {
    %get3A = arith.constant 0 : index
    %get3A_0 = arith.constant 0 : index
    %get3A_1 = vector.load %arg1[%get3A, %get3A_0] : memref<512x1024xbf16, #tpu.memory_space<vmem>>, vector<512x1024xbf16>
    %get3A_2 = arith.constant 0 : index
    %get3A_3 = arith.constant 0 : index
    %get3A_4 = vector.load %arg4[%get3A_2, %get3A_3] : memref<1024x2048xbf16, #tpu.memory_space<vmem>>, vector<1024x2048xbf16>
    %dot_general3A = arith.constant dense<0.000000e+00> : vector<512x2048xf32>
    %dot_general3A_5 = tpu.matmul %get3A_1, %get3A_4, %dot_general3A {dimension_numbers = #tpu.dot_dimension_numbers<[1], [0], [0], [1], [0, 0, 1, 1], [], []>, transpose_lhs_hint = false} : vector<512x1024xbf16>, vector<1024x2048xbf16>, vector<512x2048xf32> -> vector<512x2048xf32>
    %get3A_6 = arith.constant 0 : index
    %get3A_7 = arith.constant 0 : index
    %get3A_8 = vector.load %arg2[%get3A_6, %get3A_7] : memref<512x1024xbf16, #tpu.memory_space<vmem>>, vector<512x1024xbf16>
    %get3A_9 = arith.constant 0 : index
    %get3A_10 = arith.constant 0 : index
    %get3A_11 = vector.load %arg5[%get3A_9, %get3A_10] : memref<1024x2048xbf16, #tpu.memory_space<vmem>>, vector<1024x2048xbf16>
    %dot_general3A_12 = arith.constant dense<0.000000e+00> : vector<512x2048xf32>
    %dot_general3A_13 = tpu.matmul %get3A_8, %get3A_11, %dot_general3A_12 {dimension_numbers = #tpu.dot_dimension_numbers<[1], [0], [0], [1], [0, 0, 1, 1], [], []>, transpose_lhs_hint = false} : vector<512x1024xbf16>, vector<1024x2048xbf16>, vector<512x2048xf32> -> vector<512x2048xf32>
    %add3A = arith.addf %dot_general3A_5, %dot_general3A_13 : vector<512x2048xf32>
    %get3A_14 = arith.constant 0 : index
    %get3A_15 = arith.constant 0 : index
    %get3A_16 = vector.load %arg3[%get3A_14, %get3A_15] : memref<512x1024xbf16, #tpu.memory_space<vmem>>, vector<512x1024xbf16>
    %get3A_17 = arith.constant 0 : index
    %get3A_18 = arith.constant 0 : index
    %get3A_19 = vector.load %arg6[%get3A_17, %get3A_18] : memref<1024x2048xbf16, #tpu.memory_space<vmem>>, vector<1024x2048xbf16>
    %dot_general3A_20 = arith.constant dense<0.000000e+00> : vector<512x2048xf32>
    %dot_general3A_21 = tpu.matmul %get3A_16, %get3A_19, %dot_general3A_20 {dimension_numbers = #tpu.dot_dimension_numbers<[1], [0], [0], [1], [0, 0, 1, 1], [], []>, transpose_lhs_hint = false} : vector<512x1024xbf16>, vector<1024x2048xbf16>, vector<512x2048xf32> -> vector<512x2048xf32>
    %add3A_22 = arith.addf %add3A, %dot_general3A_21 : vector<512x2048xf32>
    %max3A = arith.constant 0.000000e+00 : f32
    %max3A_23 = vector.broadcast %max3A : f32 to vector<512x2048xf32>
    %max3A_24 = arith.maximumf %add3A_22, %max3A_23 : vector<512x2048xf32>
    %convert_element_type3A = arith.truncf %max3A_24 : vector<512x2048xf32> to vector<512x2048xbf16>
    %slice3A = vector.extract_strided_slice %convert_element_type3A {offsets = [0, 0], sizes = [512, 1024], strides = [1, 1]} : vector<512x2048xbf16> to vector<512x1024xbf16>
    %slice3A_25 = vector.extract_strided_slice %convert_element_type3A {offsets = [0, 1024], sizes = [512, 1024], strides = [1, 1]} : vector<512x2048xbf16> to vector<512x1024xbf16>
    %get3A_26 = arith.constant 0 : index
    %get3A_27 = arith.constant 0 : index
    %get3A_28 = vector.load %arg2[%get3A_26, %get3A_27] : memref<512x1024xbf16, #tpu.memory_space<vmem>>, vector<512x1024xbf16>
    %get3A_29 = arith.constant 0 : index
    %get3A_30 = arith.constant 0 : index
    %get3A_31 = vector.load %arg7[%get3A_29, %get3A_30] : memref<1024x48xbf16, #tpu.memory_space<vmem>>, vector<1024x48xbf16>
    %dot_general3A_32 = arith.constant dense<0.000000e+00> : vector<512x48xf32>
    %dot_general3A_33 = tpu.matmul %get3A_28, %get3A_31, %dot_general3A_32 {dimension_numbers = #tpu.dot_dimension_numbers<[1], [0], [0], [1], [0, 0, 1, 1], [], []>, transpose_lhs_hint = false} : vector<512x1024xbf16>, vector<1024x48xbf16>, vector<512x48xf32> -> vector<512x48xf32>
    %get3A_34 = arith.constant 0 : index
    %get3A_35 = arith.constant 0 : index
    %get3A_36 = vector.load %arg9[%get3A_34, %get3A_35] : memref<1024x48xbf16, #tpu.memory_space<vmem>>, vector<1024x48xbf16>
    %dot_general3A_37 = arith.constant dense<0.000000e+00> : vector<512x48xf32>
    %dot_general3A_38 = tpu.matmul %slice3A, %get3A_36, %dot_general3A_37 {dimension_numbers = #tpu.dot_dimension_numbers<[1], [0], [0], [1], [0, 0, 1, 1], [], []>, transpose_lhs_hint = false} : vector<512x1024xbf16>, vector<1024x48xbf16>, vector<512x48xf32> -> vector<512x48xf32>
    %add3A_39 = arith.addf %dot_general3A_33, %dot_general3A_38 : vector<512x48xf32>
    %get3A_40 = arith.constant 0 : index
    %get3A_41 = arith.constant 0 : index
    %get3A_42 = vector.load %arg11[%get3A_40, %get3A_41] : memref<1x48xf32, #tpu.memory_space<vmem>>, vector<1x48xf32>
    %add3A_43 = vector.broadcast %get3A_42 : vector<1x48xf32> to vector<512x48xf32>
    %add3A_44 = arith.addf %add3A_39, %add3A_43 : vector<512x48xf32>
    %swap3A = arith.constant 0 : index
    %swap3A_45 = arith.constant 0 : index
    %swap3A_46 = vector.load %arg13[%swap3A, %swap3A_45] : memref<512x48xf32, #tpu.memory_space<vmem>>, vector<512x48xf32>
    tpu.vector_store %arg13[%swap3A, %swap3A_45], %add3A_44 {strides = array<i32>} : memref<512x48xf32, #tpu.memory_space<vmem>>, vector<512x48xf32>,
    %get3A_47 = arith.constant 0 : index
    %get3A_48 = arith.constant 0 : index
    %get3A_49 = vector.load %arg8[%get3A_47, %get3A_48] : memref<1024x128xbf16, #tpu.memory_space<vmem>>, vector<1024x128xbf16>
    %dot_general3A_50 = arith.constant dense<0.000000e+00> : vector<512x128xf32>
    %dot_general3A_51 = tpu.matmul %get3A_28, %get3A_49, %dot_general3A_50 {dimension_numbers = #tpu.dot_dimension_numbers<[1], [0], [0], [1], [0, 0, 1, 1], [], []>, transpose_lhs_hint = false} : vector<512x1024xbf16>, vector<1024x128xbf16>, vector<512x128xf32> -> vector<512x128xf32>
    %get3A_52 = arith.constant 0 : index
    %get3A_53 = arith.constant 0 : index
    %get3A_54 = vector.load %arg10[%get3A_52, %get3A_53] : memref<1024x128xbf16, #tpu.memory_space<vmem>>, vector<1024x128xbf16>
    %dot_general3A_55 = arith.constant dense<0.000000e+00> : vector<512x128xf32>
    %dot_general3A_56 = tpu.matmul %slice3A_25, %get3A_54, %dot_general3A_55 {dimension_numbers = #tpu.dot_dimension_numbers<[1], [0], [0], [1], [0, 0, 1, 1], [], []>, transpose_lhs_hint = false} : vector<512x1024xbf16>, vector<1024x128xbf16>, vector<512x128xf32> -> vector<512x128xf32>
    %add3A_57 = arith.addf %dot_general3A_51, %dot_general3A_56 : vector<512x128xf32>
    %get3A_58 = arith.constant 0 : index
    %get3A_59 = arith.constant 0 : index
    %get3A_60 = vector.load %arg12[%get3A_58, %get3A_59] : memref<1x128xf32, #tpu.memory_space<vmem>>, vector<1x128xf32>
    %add3A_61 = vector.broadcast %get3A_60 : vector<1x128xf32> to vector<512x128xf32>
    %add3A_62 = arith.addf %add3A_57, %add3A_61 : vector<512x128xf32>
    %swap3A_63 = arith.constant 0 : index
    %swap3A_64 = arith.constant 0 : index
    %swap3A_65 = vector.load %arg14[%swap3A_63, %swap3A_64] : memref<512x128xf32, #tpu.memory_space<vmem>>, vector<512x128xf32>
    tpu.vector_store %arg14[%swap3A_63, %swap3A_64], %add3A_62 {strides = array<i32>} : memref<512x128xf32, #tpu.memory_space<vmem>>, vector<512x128xf32>,
    return
  }
  func.func @transform_0(%arg0: i32) -> (i32, i32) {
    %c0_i32 = arith.constant 0 : i32
    %c0_i32_0 = arith.constant 0 : i32
    return %arg0, %c0_i32 : i32, i32
  }
  func.func @transform_1(%arg0: i32) -> (i32, i32) {
    %c0_i32 = arith.constant 0 : i32
    %c0_i32_0 = arith.constant 0 : i32
    return %arg0, %c0_i32 : i32, i32
  }
  func.func @transform_2(%arg0: i32) -> (i32, i32) {
    %c0_i32 = arith.constant 0 : i32
    %c0_i32_0 = arith.constant 0 : i32
    return %arg0, %c0_i32 : i32, i32
  }
  func.func @transform_3(%arg0: i32) -> (i32, i32) {
    %c0_i32 = arith.constant 0 : i32
    %c0_i32_0 = arith.constant 0 : i32
    %c0_i32_1 = arith.constant 0 : i32
    return %c0_i32, %c0_i32_0 : i32, i32
  }
  func.func @transform_4(%arg0: i32) -> (i32, i32) {
    %c0_i32 = arith.constant 0 : i32
    %c0_i32_0 = arith.constant 0 : i32
    %c0_i32_1 = arith.constant 0 : i32
    return %c0_i32, %c0_i32_0 : i32, i32
  }
  func.func @transform_5(%arg0: i32) -> (i32, i32) {
    %c0_i32 = arith.constant 0 : i32
    %c0_i32_0 = arith.constant 0 : i32
    %c0_i32_1 = arith.constant 0 : i32
    return %c0_i32, %c0_i32_0 : i32, i32
  }
  func.func @transform_6(%arg0: i32) -> (i32, i32) {
    %c0_i32 = arith.constant 0 : i32
    %c0_i32_0 = arith.constant 0 : i32
    %c0_i32_1 = arith.constant 0 : i32
    return %c0_i32, %c0_i32_0 : i32, i32
  }
  func.func @transform_7(%arg0: i32) -> (i32, i32) {
    %c0_i32 = arith.constant 0 : i32
    %c0_i32_0 = arith.constant 0 : i32
    %c0_i32_1 = arith.constant 0 : i32
    return %c0_i32, %c0_i32_0 : i32, i32
  }
  func.func @transform_8(%arg0: i32) -> (i32, i32) {
    %c0_i32 = arith.constant 0 : i32
    %c0_i32_0 = arith.constant 0 : i32
    %c0_i32_1 = arith.constant 0 : i32
    return %c0_i32, %c0_i32_0 : i32, i32
  }
  func.func @transform_9(%arg0: i32) -> (i32, i32) {
    %c0_i32 = arith.constant 0 : i32
    %c0_i32_0 = arith.constant 0 : i32
    %c0_i32_1 = arith.constant 0 : i32
    return %c0_i32, %c0_i32_0 : i32, i32
  }
  func.func @transform_10(%arg0: i32) -> (i32, i32) {
    %c0_i32 = arith.constant 0 : i32
    %c0_i32_0 = arith.constant 0 : i32
    %c0_i32_1 = arith.constant 0 : i32
    return %c0_i32, %c0_i32_0 : i32, i32
  }
  func.func @transform_11(%arg0: i32) -> (i32, i32) {
    %c0_i32 = arith.constant 0 : i32
    %c0_i32_0 = arith.constant 0 : i32
    %c0_i32_1 = arith.constant 0 : i32
    return %c0_i32, %c0_i32_0 : i32, i32
  }
  func.func @transform_12(%arg0: i32) -> (i32, i32) {
    %c0_i32 = arith.constant 0 : i32
    %c0_i32_0 = arith.constant 0 : i32
    return %arg0, %c0_i32 : i32, i32
  }
  func.func @transform_13(%arg0: i32) -> (i32, i32) {
    %c0_i32 = arith.constant 0 : i32
    %c0_i32_0 = arith.constant 0 : i32
    return %arg0, %c0_i32 : i32, i32
  }
}

</mosaic_0001>

<sc_bundles>
// kernel: sparse-core-data-format-call.cloned.1.call-start
scs
called_computation_lowered:
.L_overlay_start_0:
0x0: {  	s1 =	sld [smem:$0x3FD9]  }
0x1: {  	s2 =	sld [smem:$0x3FFE];
	_ =	sdelay $0x1  }
0x2: {  	s3 =	srdreg.scid  }
0x3: {  	s0 =	sand.u32 $0x1, s3  }
0x4: {  	s17 =	sshll.u32 s0, $0xA;
	s1 =	sadd.s32 s2, s1  }
0x5: {  	s1 =	sadd.s32 s1, s17  }
0x6: {  	[smem:$0x3FBB] =	sst s1  }
0x7: {  	_ = 	snop  }
0x8: {  	(tm) =	ssettm $0x1  }
0x9: {  	s18 =	sld [smem:$0x3FFB];
	_ =	sdelay $0x3  }
0xa: {  	_ =	strace s18  }
0xb: {  	s1 =	sld [smem:$0x3FFC];
	_ =	sdelay $0x3  }
0xc: {  	_ =	strace s1  }
0xd: {  	s1 =	sld [smem:$0x3FFD];
	_ =	sdelay $0x3  }
0xe: {  	_ =	strace s1  }
0xf: {  	_ =	strace $0x8FFFFFFF  }
0x10: {  	s19 =	sld [smem:$0x3FDB];
	_ =	sdelay $0x1  }
0x11: {  	s20 =	simm.s32 $_scs_section_size  }
0x12: {  	s4 =	simm.s32 $_size__tile_overlayer_lowered;
	s5 =	simm.s32 $_tile_overlayer_lowered  }
0x13: {  	s23 =	simm.s32 $0x1BFF;
	s22 =	sshll.u32 s5, $0x1;
	s1 =	sadd.s32 s20, s19  }
0x14: {  	s6 =	simm.s32 $0x0;
	s21 =	sshll.u32 s4, $0x1;
	s4 =	sadd.s32 s22, s1  }
0x15: {  	[timem:s6], [sflag:s23] =	dma.local [hbm:s4], s21  }
0x16: {  	_ =	swait.ge [sflag:s23], s21  }
0x17: {  	s2 =	ssub.s32 $0x0, s21;
	[sflag:s23] =	ssyncset.done $0x0  }
0x18: {  	[sflag:s23] =	ssyncadd.s32 s2;
	_ =	sdelay $0x1  }
0x19: {  	s24 =	simm.s32 $0x1B8B  }
0x1a: {  	_ =	swait.ge [sflag:s24], $0x1  }
0x1b: {  	[sflag:s24] =	ssyncset.done $0x0  }
0x1c: {  	s26 =	simm.s32 $0x1B8E;
	s25 =	sld [smem:$0x3FFE];
	[sflag:s24] =	ssyncadd.s32 $0xFFFFFFFF  }
0x1d: {  	s27 =	simm.s32 $execute0_lowered;
	[smem:$0x3FD2] =	sst s26  }
0x1e: {  	s4 =	sshll.u32 s27, $0x1;
	_ =	strace $0x80000046;
	[dreg:$0x1] =	wrdreg $0xFFFFFFFF  }
0x1f: {  	s28 =	simm.s32 $_size_execute0_lowered;
	s1 =	sadd.s32 s1, s4;
	[dreg:$0x0] =	wrdreg $0x0  }
0x20: {  	s4 =	sshll.u32 s28, $0x1;
	[dreg:$0x2] =	wrdreg s1  }
0x21: {  	[dreg:$0x3] =	wrdreg s4  }
0x22: {  	[dreg:$0x4] =	wrdreg $0xC0  }
0x23: {  	_ =	task [dreg:s6], $0x5FFFF  }
0x24: {  	[dreg:$0x1] =	wrdreg $0xFFFFFFFF  }
0x25: {  	[dreg:$0x0] =	wrdreg $0x60  }
0x26: {  	[dreg:$0x2] =	wrdreg s25  }
0x27: {  	[dreg:$0x3] =	wrdreg $0x9  }
0x28: {  	_ =	task.clear_ibuf [dreg:s6], $0x4FFFF;
	_ =	strace $0x90000046  }
0x29: {  	s29 =	simm.s32 $0x9;
	_ =	strace $0x80000048  }
0x2a: {  	_ =	swait.ge [sflag:s29], $0x1  }
0x2b: {  	[sflag:s29] =	ssyncadd.s32 $0xFFFFFFFF  }
0x2c: {  	_ =	strace $0x90000048  }
0x2d: {  	_ =	sfence  }
0x2e: {  	s30 =	sld [smem:$0x0];
	_ =	sdelay $0x2  }
0x2f: {  	s31 =	sshll.u32 s3, $0xD;
	s3 =	sshrl.u32 s3, $0x2  }
0x30: {  	s2 =	sand.u32 $0x4000, s31;
	s1 =	sadd.s32 s3, s30  }
0x31: {  	s0 =	sor.u32 s2, s0;
	s1 =	sshll.u32 s1, $0x11  }
0x32: {  	s0 =	sor.u32 s1, s0  }
0x33: {  	s0 =	sadd.s32 $0x8F2B, s0  }
0x34: {  	[sflag:s0] =	ssyncadd.remote.s32 $0x1  }
0x35: {  	_ =	sfence.sel $0xFFFF  }
0x36: {  	[dreg:$0x0] =	wrdreg $0xFFFFFFFF;
	(pc) =	sbr.abs _section_cstart, $3  }
0x37: {  	[dreg:$0x1] =	wrdreg $0xFFFFFFFF  }
0x38: {  	_ =	task.clear_ibuf [dreg:s6], $0x2FFFF;
	_ =	strace $0x9FFFFFFF  }
0x39: {  	(tm) =	ssettm $0x7FFFFFFF  }
tec
execute0_lowered:
.L_overlay_start_1:
0x0: {  	(tag) =	ssettag $0x1  }
0x1: {  	s0 =	srdreg.scid  }
0x2: {  	s5 =	rddreg [dreg:$0x0];
	s1 =	sshll.u32 s0, $0x4  }
0x3: {  	s4 =	simm.s32 $0x1;
	s0 =	stileid.u32;
	s1 =	sand.u32 $0x10, s1  }
0x4: {  	s8 =	simm.s32 $0x2;
	s12 =	simm.s32 $0x0;
	s2 =	sor.u32 s0, s1  }
0x5: {  	s9 =	simm.s32 $0x0;
	s11 =	simm.s32 $0x0;
	s2 =	sshll.u32 s2, $0x7  }
0x6: {  	s3 =	sadd.s32 $0x90000, s5;
	s5 =	sadd.s32 $0x4A0000, s5;
	s6 =	ssub.s32 $0x41000, s2  }
.Ltmp0:
0x7: {  	s1 =	rddreg [dreg:$0x1];
	s7 =	sand.u32 $0xF80, s6;
	(pc) =	sbr.rel .LBB1_1-.Ltmp0, $4  }
0x8: {  	_ =	strace $0x80000047;
	p0 =	sne.s32 s7, $0x0;
	s7 =	simm.s32 $0x1  }
0x9: {  	[sflag:s4] =	ssyncpa.u1 $0x0;
	s6 =	sshrl.u32 s6, $0xC;
	s7 =	simm.s32 @!p0 $0x0  }
0xa: {  	[sflag:s8] =	ssyncpa.u1 $0x0;
	s8 =	simm.s32 $0x208000;
	s6 =	sadd.s32 s7, s6  }
0xb: {  	s10 =	smov.u32 s2;
	p0 =	por $0x0, $0x0;
	s7 =	sadd.s32 $0x1, s6  }
.LBB1_4:
0xc: {  	s15 =	sshll.u32 s9, $0x3  }
0xd: {  	s16 =	sand.u32 $0x7F, s9;
	s17 =	sand.u32 $0xFFFFFC00, s15;
	s15 =	smulhi.u32 $0xFC0FC0FD, s15  }
0xe: {  	s16 =	sor.u32 s16, s17  }
0xf: {  	s17 =	smulhi.u32 $0xFC0FC0FD, s16;
	s15 =	sshrl.u32 s15, $0x12  }
0x10: {  	p1 =	sgt.s32 s9, $0x40F80;
	s19 =	smov.u32 s9;
	s18 =	smul.u32 $0x2AAB, s15  }
0x11: {  	s20 =	sshra.s32 s9, $0x1F;
	s19 =	simm.s32 @!p1 $0x40F80;
	s17 =	sshrl.u32 s17, $0x12  }
0x12: {  	s20 =	sand.u32 s20, s9;
	s17 =	smul.u32 $0x41000, s17;
	s18 =	sshrl.u32 s18, $0x13  }
0x13: {  	s27 =	ssub.s32 s19, s20;
	s18 =	smul.u32 $0x30, s18  }
0x14: {  	s28 =	sadd.s32 $0xFFFBF080, s27  }
0x15: {  	s16 =	ssub.s32 s16, s17;
	s17 =	ssub.s32 $0x41000, s27;
	s15 =	ssub.s32 s15, s18  }
0x16: {  	p1 =	sgt.s32 s28, $0x7F;
	s17 =	smul.u32 $0xC0, s17;
	s15 =	sand.u32 $0xFFFF, s15  }
0x17: {  	[tilespmem:s14+$0x810 ss:$0x81] =	vst.msk $0xffff, v2;
	s29 =	sshrl.u32 s16, $0x3;
	s16 =	sand.u32 $0x7, s16;
	s15 =	smul.u32 $0x8200, s15  }
0x18: {  	[tilespmem:s14+$0x1020 ss:$0x81] =	vst.msk $0xffff, v0;
	s18 =	sadd.s32 s5, s29;
	s16 =	sshll.u32 s16, $0x12;
	s17 =	sshrl.u32 s17, $0x2  }
0x19: {  	[tilespmem:s14+$0x0 ss:$0x81] =	vst.msk $0xffff, v1;
	s31 =	sor.u32 $0x400, s16;
	s17 =	simm.s32 @p1 $0x0;
	s30 =	sadd.s32 s15, s18  }
0x1a: {  	[hbm4b:s30+s31] =	stream.strided.scatter [tilespmem:s13], [sflag:$0x2], s17, s8, s31, $0x20;
	[tilespmem:$0x8080] =	vst v63  }
.LBB1_5:
0x1b: {  	p1 =	slt.u32 s11, $0x2  }
0x1c: {  	p2 =	sgt.s32 @!p1 s12, $0x40F80  }
0x1d: {  	s13 =	smov.u32 s12;
	s14 =	sshra.s32 @!p1 s12, $0x1F;
	p2 =	por !p2, p1  }
0x1e: {  	s12 =	sand.u32 @!p1 s14, s12;
	s13 =	simm.s32 @p2 $0x40F80  }
0x1f: {  	s12 =	ssub.s32 @!p1 s13, s12  }
0x20: {  	s13 =	ssub.s32 @!p1 $0x41000, s12  }
0x21: {  	s12 =	sadd.s32 @!p1 $0xFFFBF080, s12;
	s13 =	smul.u32 @!p1 $0xC0, s13  }
0x22: {  	p2 =	sgt.s32 @!p1 s12, $0x7F  }
0x23: {  	s14 =	sadd.s32 $0x1000, s10;
	p2 =	por !p2, p1;
	s12 =	sshrl.u32 @!p1 s13, $0x2  }
0x24: {  	s12 =	simm.s32 @!p2 $0x0;
	p2 =	sgt.s32 s14, $0x40FFF  }
0x25: {  	s14 =	smov.u32 @p2 s2;
	p2 =	sne.s32 s11, s7  }
.Ltmp1:
0x26: {  	_ = 	snop;
	(pc) =	sbr.rel @!p2 .LBB1_6-.Ltmp1, $4  }
0x27: {  	s13 =	simm.s32 @!p1 $0x2  }
0x28: {  	p0 =	por !p0, !p0;
	_ =	swait.ge @!p1 [sflag:s13], s12;
	s15 =	ssub.s32 @!p1 $0x0, s12  }
0x29: {  	s12 =	smov.u32 s9;
	s11 =	sadd.s32 $0x1, s11;
	[sflag:s13] =	ssyncset.done @!p1 $0x0  }
0x2a: {  	s9 =	smov.u32 s10;
	s10 =	smov.u32 s14;
	[sflag:s13] =	ssyncadd.s32 @!p1 s15  }
.LBB1_1:
0x2b: {  	p1 =	sge.u32 s11, s6  }
0x2c: {  	s13 =	sand.u32 @!p1 $0x1FFFFFF, s10  }
0x2d: {  	s14 =	smulhi.u32 @!p1 $0xFC0FC1, s13;
	_ =	sdelay $0x1  }
0x2e: {  	s14 =	sshrl.u32 @!p1 s14, $0xA  }
0x2f: {  	s14 =	smul.u32 @!p1 $0x41000, s14;
	_ =	sdelay $0x1  }
0x30: {  	s31 =	sadd.s32 $0xFFFFFFFF, s11;
	s15 =	sxor.u32 @!p1 $0xFFFFFFFF, s11;
	s13 =	ssub.s32 @!p1 s13, s14  }
0x31: {  	s16 =	simm.s32 @!p1 $0x80;
	s15 =	sshll.u32 @!p1 s15, $0xD;
	s13 =	sshll.u32 @!p1 s13, $0x4  }
0x32: {  	s14 =	sand.u32 @!p1 $0x2000, s15;
	s15 =	simm.s32 @!p1 $0x40;
	s13 =	sadd.s32 @!p1 s3, s13  }
0x33: {  	[tilespmem:s14], [sflag:$0x1] =	stream.strided.gather @!p1 [hbm4b:s13+s15], $0x2000, s16, s15, $0x38;
	[tilespmem:$0x8080] =	vst v63  }
0x34: {  	p1 =	sge.u32 s31, s6  }
.Ltmp2:
0x35: {  	_ = 	snop;
	(pc) =	sbr.rel @p1 .LBB1_5-.Ltmp2, $1  }
0x36: {  	_ =	sdelay $0x3  }
0x37: {  	s13 =	simm.s32 $0x1  }
0x38: {  	_ =	swait.ge [sflag:s4], $0x2000;
	s13 =	simm.s32 @!p0 $0x0  }
0x39: {  	[sflag:s4] =	ssyncset.done $0x0;
	s14 =	sshll.u32 s13, $0xD  }
0x3a: {  	[sflag:s4] =	ssyncadd.s32 $0xFFFFE000;
	s17 =	sor.u32 $0x20, s14  }
0x3b: {  	s13 =	smul.u32 $0x8100, s13;
	v3 =	vld [tilespmem:s17+$0x10]  }
0x3c: {  	s30 =	sand.u32 $0x1, s11;
	v2 =	vld [tilespmem:s17+$0xFFFFFFF0]  }
0x3d: {  	s14 =	smul.u32 $0x8100, s30;
	s13 =	sshrl.u32 s13, $0x2;
	v0 =	vld [tilespmem:s17+$0x0]  }
0x3e: {  	v1 =	vld [tilespmem:s17+$0xFFFFFFE0];
	s15 =	sor.u32 $0x4000, s13  }
0x3f: {  	s31 =	sshrl.u32 s14, $0x2;
	s14 =	sadd.s32 $0x0, s15  }
0x40: {  	s16 =	simm.s32 $0x4;
	s17 =	sadd.s32 $0x40, s17;
	s13 =	sor.u32 $0x4000, s31;
	[tilespmem:s14+$0x1830 ss:$0x81] =	vst.msk $0xffff, v3  }
.LBB1_3:
0x41: {  	v3 =	vld [tilespmem:s17+$0x10];
	p1 =	sne.s32 s16, $0x1FC;
	[tilespmem:s14+$0x810 ss:$0x81] =	vst.msk $0xffff, v2;
	s18 =	smov.u32 s16;
	s16 =	sadd.s32 $0x4, s16  }
.Ltmp3:
0x42: {  	v2 =	vld [tilespmem:s17+$0xFFFFFFF0];
	[tilespmem:s14+$0x1020 ss:$0x81] =	vst.msk $0xffff, v0;
	(pc) =	sbr.rel @p1 .LBB1_3-.Ltmp3, $4  }
0x43: {  	v0 =	vld [tilespmem:s17+$0x0];
	[tilespmem:s14+$0x0 ss:$0x81] =	vst.msk $0xffff, v1  }
0x44: {  	s14 =	sshra.s32 s18, $0x2;
	v1 =	vld [tilespmem:s17+$0xFFFFFFE0]  }
0x45: {  	s14 =	sadd.s32 s14, s15  }
0x46: {  	s17 =	sadd.s32 $0x40, s17;
	[tilespmem:s14+$0x1830 ss:$0x81] =	vst.msk $0xffff, v3  }
.Ltmp4:
0x47: {  	_ = 	snop;
	(pc) =	sbr.rel .LBB1_4-.Ltmp4, $1  }
0x48: {  	_ =	sdelay $0x3  }
.LBB1_6:
0x49: {  	_ =	sfence.sel $0x180000  }
0x4a: {  	s2 =	simm.s32 $0x1;
	[bflag:$0x0] =	sbarrier.arrive $0xFFFF  }
0x4b: {  	s31 =	simm.s32 $0x2;
	[sflag:s2] =	ssyncpa.u1 $0x1  }
0x4c: {  	[sflag:s31] =	ssyncpa.u1 $0x1  }
0x4d: {  	p0 =	sne.s32 s0, $0x0;
	_ =	strace $0x90000047  }
0x4e: {  	s0 =	sadd.s32 @!p0 $0x100000, s1;
	[bflag:$0x2] =	sbarrier.arrive $0xFFFF  }
0x4f: {  	[sflag:s0] =	ssyncadd.tile.s32 @!p0 $0x1;
	_ =	shalt  }
.Lfunc_end1:
_tile_overlayer_lowered:
.L_overlay_start_2:
0x50: {  	(tag) =	ssettag $0x2  }
0x51: {  	s0 =	rddreg [dreg:$0x0];
	s2 =	stileid.u32  }
0x52: {  	s1 =	rddreg [dreg:$0x1];
	p0 =	sne.s32 s2, $0x0  }
0x53: {  	s3 =	rddreg [dreg:$0x2];
	[bflag:$0x3] =	sbarrier.arrive $0xFFFF;
	s2 =	simm.s32 @!p0 $0x1C01  }
0x54: {  	[timem:s3], [sflag:s2] =	dma.local @!p0 [hbm:s0], s1  }
0x55: {  	s0 =	simm.s32 @!p0 $0x1  }
0x56: {  	_ =	swait.ge @!p0 [sflag:s0], s1  }
0x57: {  	s1 =	ssub.s32 @!p0 $0x0, s1;
	[sflag:s0] =	ssyncset.done @!p0 $0x0  }
0x58: {  	[sflag:s0] =	ssyncadd.s32 @!p0 s1  }
0x59: {  	[bflag:$0x3] =	sbarrier.arrive $0xFFFF  }
0x5a: {  	_ =	shalt  }

</sc_bundles>
